<compile_context>
chip_gen: v7x
topology: tpu7x:2x2x1
jax: 0.10.2.dev20260603
libtpu: 0.0.44.dev20260713+nightly
codegen_flags: <defaults>
</compile_context>

<pallas_src>
import functools

import jax
import jax.numpy as jnp
from jax import lax
from jax.experimental import pallas as pl
from jax.experimental.pallas import tpu as pltpu
from jax.experimental.pallas import tpu_sc as plsc

_JC = 512


def _order_key(f32val):
    i = lax.bitcast_convert_type(f32val, jnp.int32)
    return i ^ lax.shift_right_arithmetic(i, 31) & jnp.int32(0x7FFFFFFF)


def _ranks_body(x_ref, c_ref, out_ref, tmat, krow, kcol):
    b = pl.program_id(0)
    jc = pl.program_id(1)
    s = out_ref.shape[2]

    @pl.when(jnp.logical_and(b == 0, jc == 0))
    def _():
        io0 = lax.broadcasted_iota(jnp.int32, (s, s), 0)
        io1 = lax.broadcasted_iota(jnp.int32, (s, s), 1)
        tmat[...] = jnp.where(io0 < io1, jnp.int32(1), jnp.int32(0))

    @pl.when(jc == 0)
    def _():
        xr = x_ref[0, :, 0, :]
        cr = c_ref[0]
        w = jnp.mean(xr, axis=0, keepdims=True)
        cm = jnp.mean(cr, axis=0, keepdims=True)
        srow = cm * w + 0.0
        krow[...] = _order_key(srow)
        kcol[...] = jnp.transpose(krow[...])

    kc = kcol[pl.ds(jc * _JC, _JC), :]
    kr = krow[...]
    t = kr - tmat[pl.ds(jc * _JC, _JC), :]
    m = jnp.broadcast_to(kc, (_JC, s)) > t
    f = jnp.where(m, jnp.int32(1), jnp.int32(0))
    part = jnp.sum(f, axis=0, keepdims=True)

    @pl.when(jc == 0)
    def _():
        out_ref[...] = part[None]

    @pl.when(jc > 0)
    def _():
        out_ref[...] = out_ref[...] + part[None]


def _make_scatter(b_sz, s):
    mesh = plsc.VectorSubcoreMesh(core_axis_name="c", subcore_axis_name="s")

    @functools.partial(
        pl.kernel,
        mesh=mesh,
        out_type=jax.ShapeDtypeStruct((b_sz, s), jnp.int32),
        scratch_types=[
            pltpu.VMEM((s,), jnp.int32),
            pltpu.VMEM((s,), jnp.int32),
        ],
        compiler_params=pltpu.CompilerParams(needs_layout_passes=False),
    )
    def scat(ranks_hbm, out_hbm, ranks_v, out_v):
        cid = lax.axis_index("c")
        sid = lax.axis_index("s")

        @pl.when(jnp.logical_and(sid == 0, cid < b_sz))
        def _():
            pltpu.sync_copy(ranks_hbm.at[cid, 0], ranks_v)

            def body(k, carry):
                for u in range(8):
                    base = k * 128 + u * 16
                    idx = ranks_v[pl.ds(base, 16)]
                    vals = lax.iota(jnp.int32, 16) + base
                    plsc.store_scatter(out_v, [idx], vals)
                return carry

            lax.fori_loop(0, s // 128, body, 0)
            pltpu.sync_copy(out_v, out_hbm.at[cid])

    return scat


def kernel(x, contributions):
    b_sz, h, s, _ = x.shape
    ranks = pl.pallas_call(
        _ranks_body,
        grid=(b_sz, s // _JC),
        in_specs=[
            pl.BlockSpec((1, h, 8, s), lambda b, j: (b, 0, 0, 0)),
            pl.BlockSpec((1, h, s), lambda b, j: (b, 0, 0)),
        ],
        out_specs=pl.BlockSpec((1, 1, s), lambda b, j: (b, 0, 0)),
        out_shape=jax.ShapeDtypeStruct((b_sz, 1, s), jnp.int32),
        scratch_shapes=[
            pltpu.VMEM((s, s), jnp.int32),
            pltpu.VMEM((1, s), jnp.int32),
            pltpu.VMEM((s, 1), jnp.int32),
        ],
    )(x, contributions)
    return _make_scatter(b_sz, s)(ranks)

# --- scband reference (transcript-rebuilt; emitter-appended) ---
"""Pipeline reference for scband-maws-26061861552390 (READ-ONLY COPY).

The authoritative reference and input builder live on the scoring server;
editing this copy changes nothing except your own understanding.
"""

import jax, jax.numpy as jnp
import numpy as np

def setup_inputs(seed: int = 0) -> dict:
    key = jax.random.key(seed)
    k1, k2 = jax.random.split(key)
    x = jax.random.normal(k1, (2, 12, 2048, 2048), dtype=jnp.float32)
    contributions = jax.random.normal(k2, (2, 12, 2048), dtype=jnp.float32)
    return {"x": x, "contributions": contributions}

def reference(x, contributions):
    # contributions: [B, H, S] -> mean over heads -> [B, S]
    contrib_mean = contributions.mean(axis=1)
    # x: [B, H, S, S]; take attention from token 0 row: x[:, :, 0, :] -> [B, H, S], mean over heads -> [B, S]
    weights = x[:, :, 0, :].mean(axis=1)
    scores = contrib_mean * weights
    # descending argsort along sequence dim
    max_inx = jnp.argsort(-scores, axis=1)
    return max_inx

if __name__ == "__main__":
    import jax
    _d = setup_inputs()
    print(jax.jit(kernel)(*tuple(_d.values())))

</pallas_src>

<mosaic_0001>
#map = affine_map<(d0, d1) -> (0, 0, 0)>
#map1 = affine_map<(d0, d1) -> (0, 0)>
module attributes {stable_mosaic.version = 14 : i64} {
  func.func @scat(%arg0: i32, %arg1: i32, %arg2: memref<2x1x2048xi32, #tpu.memory_space<hbm>>, %arg3: memref<2x2048xi32, #tpu.memory_space<hbm>>, %arg4: memref<2048xi32, #tpu.memory_space<vmem>>, %arg5: memref<2048xi32, #tpu.memory_space<vmem>>) attributes {dimension_semantics = [#tpu.dimension_semantics<core_parallel>, #tpu.dimension_semantics<subcore_parallel>], iteration_bounds = array<i64: 2, 16>, scalar_prefetch = 0 : i64, scratch_operands = 2 : i64, tpu.core_type = #tpu.core_type<sc_vector_subcore>, window_params = [{transform_indices = #map}, {transform_indices = #map1}]} {
    %eq3A = arith.constant 0 : i32
    %eq3A_0 = arith.cmpi eq, %arg1, %eq3A : i32
    %lt3A = arith.constant 2 : i32
    %lt3A_1 = arith.cmpi slt, %arg0, %lt3A : i32
    %and3A = arith.andi %eq3A_0, %lt3A_1 : i1
    %convert_element_type3A = arith.extui %and3A : i1 to i32
    %cond3A = arith.constant 0 : i32
    %cond3A_2 = arith.cmpi ne, %convert_element_type3A, %cond3A : i32
    scf.if %cond3A_2 {
      %run_scoped3A = arith.constant 0 : i32
      "tpu.region"() ({
        %run_scoped3A_8 = tpu.sem_alloc : memref<!tpu.dma_semaphore, #tpu.memory_space<semaphore_mem>>
        %dma_start3A = arith.constant 0 : i32
        %dma_start3A_9 = tpu.memref_slice %arg2[%arg0, %run_scoped3A, %dma_start3A] : memref<2x1x2048xi32, #tpu.memory_space<hbm>> -> memref<1x1x2048xi32, #tpu.memory_space<hbm>>
        %dma_start3A_10 = tpu.memref_squeeze %dma_start3A_9 : memref<1x1x2048xi32, #tpu.memory_space<hbm>> -> memref<2048xi32, #tpu.memory_space<hbm>>
        %dma_start3A_11 = arith.constant 0 : i32
        %dma_start3A_12 = tpu.memref_slice %arg2[%arg0, %run_scoped3A, %dma_start3A_11] : memref<2x1x2048xi32, #tpu.memory_space<hbm>> -> memref<1x1x2048xi32, #tpu.memory_space<hbm>>
        %dma_start3A_13 = tpu.memref_squeeze %dma_start3A_12 : memref<1x1x2048xi32, #tpu.memory_space<hbm>> -> memref<2048xi32, #tpu.memory_space<hbm>>
        tpu.enqueue_dma source(%dma_start3A_13 : memref<2048xi32, #tpu.memory_space<hbm>>) target(%arg4 : memref<2048xi32, #tpu.memory_space<vmem>>) target_semaphore(%run_scoped3A_8 : memref<!tpu.dma_semaphore, #tpu.memory_space<semaphore_mem>>)
        %dma_wait3A = arith.constant 0 : i32
        %dma_wait3A_14 = tpu.memref_slice %arg2[%arg0, %run_scoped3A, %dma_wait3A] : memref<2x1x2048xi32, #tpu.memory_space<hbm>> -> memref<1x1x2048xi32, #tpu.memory_space<hbm>>
        %dma_wait3A_15 = tpu.memref_squeeze %dma_wait3A_14 : memref<1x1x2048xi32, #tpu.memory_space<hbm>> -> memref<2048xi32, #tpu.memory_space<hbm>>
        %dma_wait3A_16 = arith.constant 0 : i32
        %dma_wait3A_17 = tpu.memref_slice %arg2[%arg0, %run_scoped3A, %dma_wait3A_16] : memref<2x1x2048xi32, #tpu.memory_space<hbm>> -> memref<1x1x2048xi32, #tpu.memory_space<hbm>>
        %dma_wait3A_18 = tpu.memref_squeeze %dma_wait3A_17 : memref<1x1x2048xi32, #tpu.memory_space<hbm>> -> memref<2048xi32, #tpu.memory_space<hbm>>
        tpu.wait_dma2 semaphore(%run_scoped3A_8 : memref<!tpu.dma_semaphore, #tpu.memory_space<semaphore_mem>>) src(%dma_wait3A_18 : memref<2048xi32, #tpu.memory_space<hbm>>) dst(%arg4 : memref<2048xi32, #tpu.memory_space<vmem>>)
        tpu.yield
      }) : () -> ()
      %scan3A = arith.constant 0 : i32
      %scan3A_3 = arith.constant 0 : i32
      %scan3A_4 = arith.constant 16 : i32
      %scan3A_5 = arith.addi %scan3A_3, %scan3A_4 : i32
      %scan3A_6 = arith.constant 1 : i32
      scf.for %scan3A_8 = %scan3A_3 to %scan3A_5 step %scan3A_6  : i32 {
        %mul3A = arith.constant 128 : i32
        %mul3A_9 = arith.muli %scan3A_8, %mul3A : i32
        %add3A = arith.constant 0 : i32
        %add3A_10 = arith.addi %mul3A_9, %add3A : i32
        %get3A = arith.index_cast %add3A_10 : i32 to index
        %get3A_11 = tpu.vector_load %arg4[%get3A] {strides = array<i32>} : memref<2048xi32, #tpu.memory_space<vmem>>, vector<16xi32>,
        %iota3A = tpu.iota {dimensions = array<i32: 0>} : vector<16xi32>
        %add3A_12 = vector.broadcast %add3A_10 : i32 to vector<16xi32>
        %add3A_13 = arith.addi %iota3A, %add3A_12 : vector<16xi32>
        tpu.vector_store_idx %arg5[%get3A_11], %add3A_13 : memref<2048xi32, #tpu.memory_space<vmem>>[vector<16xi32>], vector<16xi32>,
        %mul3A_14 = arith.constant 128 : i32
        %mul3A_15 = arith.muli %scan3A_8, %mul3A_14 : i32
        %add3A_16 = arith.constant 16 : i32
        %add3A_17 = arith.addi %mul3A_15, %add3A_16 : i32
        %get3A_18 = arith.index_cast %add3A_17 : i32 to index
        %get3A_19 = tpu.vector_load %arg4[%get3A_18] {strides = array<i32>} : memref<2048xi32, #tpu.memory_space<vmem>>, vector<16xi32>,
        %iota3A_20 = tpu.iota {dimensions = array<i32: 0>} : vector<16xi32>
        %add3A_21 = vector.broadcast %add3A_17 : i32 to vector<16xi32>
        %add3A_22 = arith.addi %iota3A_20, %add3A_21 : vector<16xi32>
        tpu.vector_store_idx %arg5[%get3A_19], %add3A_22 : memref<2048xi32, #tpu.memory_space<vmem>>[vector<16xi32>], vector<16xi32>,
        %mul3A_23 = arith.constant 128 : i32
        %mul3A_24 = arith.muli %scan3A_8, %mul3A_23 : i32
        %add3A_25 = arith.constant 32 : i32
        %add3A_26 = arith.addi %mul3A_24, %add3A_25 : i32
        %get3A_27 = arith.index_cast %add3A_26 : i32 to index
        %get3A_28 = tpu.vector_load %arg4[%get3A_27] {strides = array<i32>} : memref<2048xi32, #tpu.memory_space<vmem>>, vector<16xi32>,
        %iota3A_29 = tpu.iota {dimensions = array<i32: 0>} : vector<16xi32>
        %add3A_30 = vector.broadcast %add3A_26 : i32 to vector<16xi32>
        %add3A_31 = arith.addi %iota3A_29, %add3A_30 : vector<16xi32>
        tpu.vector_store_idx %arg5[%get3A_28], %add3A_31 : memref<2048xi32, #tpu.memory_space<vmem>>[vector<16xi32>], vector<16xi32>,
        %mul3A_32 = arith.constant 128 : i32
        %mul3A_33 = arith.muli %scan3A_8, %mul3A_32 : i32
        %add3A_34 = arith.constant 48 : i32
        %add3A_35 = arith.addi %mul3A_33, %add3A_34 : i32
        %get3A_36 = arith.index_cast %add3A_35 : i32 to index
        %get3A_37 = tpu.vector_load %arg4[%get3A_36] {strides = array<i32>} : memref<2048xi32, #tpu.memory_space<vmem>>, vector<16xi32>,
        %iota3A_38 = tpu.iota {dimensions = array<i32: 0>} : vector<16xi32>
        %add3A_39 = vector.broadcast %add3A_35 : i32 to vector<16xi32>
        %add3A_40 = arith.addi %iota3A_38, %add3A_39 : vector<16xi32>
        tpu.vector_store_idx %arg5[%get3A_37], %add3A_40 : memref<2048xi32, #tpu.memory_space<vmem>>[vector<16xi32>], vector<16xi32>,
        %mul3A_41 = arith.constant 128 : i32
        %mul3A_42 = arith.muli %scan3A_8, %mul3A_41 : i32
        %add3A_43 = arith.constant 64 : i32
        %add3A_44 = arith.addi %mul3A_42, %add3A_43 : i32
        %get3A_45 = arith.index_cast %add3A_44 : i32 to index
        %get3A_46 = tpu.vector_load %arg4[%get3A_45] {strides = array<i32>} : memref<2048xi32, #tpu.memory_space<vmem>>, vector<16xi32>,
        %iota3A_47 = tpu.iota {dimensions = array<i32: 0>} : vector<16xi32>
        %add3A_48 = vector.broadcast %add3A_44 : i32 to vector<16xi32>
        %add3A_49 = arith.addi %iota3A_47, %add3A_48 : vector<16xi32>
        tpu.vector_store_idx %arg5[%get3A_46], %add3A_49 : memref<2048xi32, #tpu.memory_space<vmem>>[vector<16xi32>], vector<16xi32>,
        %mul3A_50 = arith.constant 128 : i32
        %mul3A_51 = arith.muli %scan3A_8, %mul3A_50 : i32
        %add3A_52 = arith.constant 80 : i32
        %add3A_53 = arith.addi %mul3A_51, %add3A_52 : i32
        %get3A_54 = arith.index_cast %add3A_53 : i32 to index
        %get3A_55 = tpu.vector_load %arg4[%get3A_54] {strides = array<i32>} : memref<2048xi32, #tpu.memory_space<vmem>>, vector<16xi32>,
        %iota3A_56 = tpu.iota {dimensions = array<i32: 0>} : vector<16xi32>
        %add3A_57 = vector.broadcast %add3A_53 : i32 to vector<16xi32>
        %add3A_58 = arith.addi %iota3A_56, %add3A_57 : vector<16xi32>
        tpu.vector_store_idx %arg5[%get3A_55], %add3A_58 : memref<2048xi32, #tpu.memory_space<vmem>>[vector<16xi32>], vector<16xi32>,
        %mul3A_59 = arith.constant 128 : i32
        %mul3A_60 = arith.muli %scan3A_8, %mul3A_59 : i32
        %add3A_61 = arith.constant 96 : i32
        %add3A_62 = arith.addi %mul3A_60, %add3A_61 : i32
        %get3A_63 = arith.index_cast %add3A_62 : i32 to index
        %get3A_64 = tpu.vector_load %arg4[%get3A_63] {strides = array<i32>} : memref<2048xi32, #tpu.memory_space<vmem>>, vector<16xi32>,
        %iota3A_65 = tpu.iota {dimensions = array<i32: 0>} : vector<16xi32>
        %add3A_66 = vector.broadcast %add3A_62 : i32 to vector<16xi32>
        %add3A_67 = arith.addi %iota3A_65, %add3A_66 : vector<16xi32>
        tpu.vector_store_idx %arg5[%get3A_64], %add3A_67 : memref<2048xi32, #tpu.memory_space<vmem>>[vector<16xi32>], vector<16xi32>,
        %mul3A_68 = arith.constant 128 : i32
        %mul3A_69 = arith.muli %scan3A_8, %mul3A_68 : i32
        %add3A_70 = arith.constant 112 : i32
        %add3A_71 = arith.addi %mul3A_69, %add3A_70 : i32
        %get3A_72 = arith.index_cast %add3A_71 : i32 to index
        %get3A_73 = tpu.vector_load %arg4[%get3A_72] {strides = array<i32>} : memref<2048xi32, #tpu.memory_space<vmem>>, vector<16xi32>,
        %iota3A_74 = tpu.iota {dimensions = array<i32: 0>} : vector<16xi32>
        %add3A_75 = vector.broadcast %add3A_71 : i32 to vector<16xi32>
        %add3A_76 = arith.addi %iota3A_74, %add3A_75 : vector<16xi32>
        tpu.vector_store_idx %arg5[%get3A_73], %add3A_76 : memref<2048xi32, #tpu.memory_space<vmem>>[vector<16xi32>], vector<16xi32>,
      }
      %scan3A_7 = arith.constant 16 : i32
      "tpu.region"() ({
        %run_scoped3A_8 = tpu.sem_alloc : memref<!tpu.dma_semaphore, #tpu.memory_space<semaphore_mem>>
        %dma_start3A = arith.constant 0 : i32
        %dma_start3A_9 = tpu.memref_slice %arg3[%arg0, %dma_start3A] : memref<2x2048xi32, #tpu.memory_space<hbm>> -> memref<1x2048xi32, #tpu.memory_space<hbm>>
        %dma_start3A_10 = tpu.memref_squeeze %dma_start3A_9 : memref<1x2048xi32, #tpu.memory_space<hbm>> -> memref<2048xi32, #tpu.memory_space<hbm>>
        %dma_start3A_11 = arith.constant 0 : i32
        %dma_start3A_12 = tpu.memref_slice %arg3[%arg0, %dma_start3A_11] : memref<2x2048xi32, #tpu.memory_space<hbm>> -> memref<1x2048xi32, #tpu.memory_space<hbm>>
        %dma_start3A_13 = tpu.memref_squeeze %dma_start3A_12 : memref<1x2048xi32, #tpu.memory_space<hbm>> -> memref<2048xi32, #tpu.memory_space<hbm>>
        tpu.enqueue_dma source(%arg5 : memref<2048xi32, #tpu.memory_space<vmem>>) target(%dma_start3A_13 : memref<2048xi32, #tpu.memory_space<hbm>>) target_semaphore(%run_scoped3A_8 : memref<!tpu.dma_semaphore, #tpu.memory_space<semaphore_mem>>)
        %dma_wait3A = arith.constant 0 : i32
        %dma_wait3A_14 = tpu.memref_slice %arg3[%arg0, %dma_wait3A] : memref<2x2048xi32, #tpu.memory_space<hbm>> -> memref<1x2048xi32, #tpu.memory_space<hbm>>
        %dma_wait3A_15 = tpu.memref_squeeze %dma_wait3A_14 : memref<1x2048xi32, #tpu.memory_space<hbm>> -> memref<2048xi32, #tpu.memory_space<hbm>>
        %dma_wait3A_16 = arith.constant 0 : i32
        %dma_wait3A_17 = tpu.memref_slice %arg3[%arg0, %dma_wait3A_16] : memref<2x2048xi32, #tpu.memory_space<hbm>> -> memref<1x2048xi32, #tpu.memory_space<hbm>>
        %dma_wait3A_18 = tpu.memref_squeeze %dma_wait3A_17 : memref<1x2048xi32, #tpu.memory_space<hbm>> -> memref<2048xi32, #tpu.memory_space<hbm>>
        tpu.wait_dma2 semaphore(%run_scoped3A_8 : memref<!tpu.dma_semaphore, #tpu.memory_space<semaphore_mem>>) src(%arg5 : memref<2048xi32, #tpu.memory_space<vmem>>) dst(%dma_wait3A_18 : memref<2048xi32, #tpu.memory_space<hbm>>)
        tpu.yield
      }) : () -> ()
    } else {
    }
    return
  }
}

module attributes {stable_mosaic.version = 14 : i64} {
  func.func @_ranks_body(%arg0: i32, %arg1: i32, %arg2: memref<1x12x8x2048xf32, #tpu.memory_space<vmem>>, %arg3: memref<1x12x2048xf32, #tpu.memory_space<vmem>>, %arg4: memref<1x1x2048xi32, #tpu.memory_space<vmem>>, %arg5: memref<2048x2048xi32, #tpu.memory_space<vmem>>, %arg6: memref<1x2048xi32, #tpu.memory_space<vmem>>, %arg7: memref<2048x1xi32, #tpu.memory_space<vmem>>) attributes {dimension_semantics = [#tpu.dimension_semantics<arbitrary>, #tpu.dimension_semantics<arbitrary>], iteration_bounds = array<i64: 2, 4>, scalar_prefetch = 0 : i64, scratch_operands = 3 : i64, tpu.core_type = #tpu.core_type<tc>, window_params = [{transform_indices = @transform_0, window_bounds = array<i64: 1, 12, 8, 2048>}, {transform_indices = @transform_1, window_bounds = array<i64: 1, 12, 2048>}, {transform_indices = @transform_2, window_bounds = array<i64: 1, 1, 2048>}]} {
    %eq3A = arith.constant 0 : i32
    %eq3A_0 = arith.cmpi eq, %arg0, %eq3A : i32
    %eq3A_1 = arith.constant 0 : i32
    %eq3A_2 = arith.cmpi eq, %arg1, %eq3A_1 : i32
    %and3A = arith.andi %eq3A_0, %eq3A_2 : i1
    %convert_element_type3A = arith.extui %and3A : i1 to i32
    %cond3A = arith.constant 0 : i32
    %cond3A_3 = arith.cmpi ne, %convert_element_type3A, %cond3A : i32
    scf.if %cond3A_3 {
      %iota3A = tpu.iota {dimensions = array<i32: 0>} : vector<2048x2048xi32>
      %iota3A_37 = tpu.iota {dimensions = array<i32: 1>} : vector<2048x2048xi32>
      %lt3A = arith.cmpi slt, %iota3A, %iota3A_37 : vector<2048x2048xi32>
      %jit3A_38 = arith.constant 1 : i32
      %jit3A_39 = arith.constant 0 : i32
      %broadcast_in_dim3A_40 = vector.broadcast %jit3A_38 : i32 to vector<2048x2048xi32>
      %broadcast_in_dim3A_41 = vector.broadcast %jit3A_39 : i32 to vector<2048x2048xi32>
      %select_n3A_42 = arith.select %lt3A, %broadcast_in_dim3A_40, %broadcast_in_dim3A_41 : vector<2048x2048xi1>, vector<2048x2048xi32>
      %swap3A = arith.constant 0 : index
      %swap3A_43 = arith.constant 0 : index
      %swap3A_44 = vector.load %arg5[%swap3A, %swap3A_43] : memref<2048x2048xi32, #tpu.memory_space<vmem>>, vector<2048x2048xi32>
      tpu.vector_store %arg5[%swap3A, %swap3A_43], %select_n3A_42 {strides = array<i32>} : memref<2048x2048xi32, #tpu.memory_space<vmem>>, vector<2048x2048xi32>,
    } else {
    }
    %eq3A_4 = arith.constant 0 : i32
    %eq3A_5 = arith.cmpi eq, %arg1, %eq3A_4 : i32
    %convert_element_type3A_6 = arith.extui %eq3A_5 : i1 to i32
    %cond3A_7 = arith.constant 0 : i32
    %cond3A_8 = arith.cmpi ne, %convert_element_type3A_6, %cond3A_7 : i32
    scf.if %cond3A_8 {
      %get3A_37 = arith.constant 0 : index
      %get3A_38 = arith.constant 0 : index
      %get3A_39 = arith.constant 0 : index
      %get3A_40 = arith.constant 0 : index
      %get3A_41 = vector.load %arg2[%get3A_37, %get3A_38, %get3A_39, %get3A_40] : memref<1x12x8x2048xf32, #tpu.memory_space<vmem>>, vector<1x12x1x2048xf32>
      %get3A_42 = vector.shape_cast %get3A_41 : vector<1x12x1x2048xf32> to vector<12x2048xf32>
      %get3A_43 = arith.constant 0 : index
      %get3A_44 = arith.constant 0 : index
      %get3A_45 = arith.constant 0 : index
      %get3A_46 = vector.load %arg3[%get3A_43, %get3A_44, %get3A_45] : memref<1x12x2048xf32, #tpu.memory_space<vmem>>, vector<1x12x2048xf32>
      %get3A_47 = vector.shape_cast %get3A_46 : vector<1x12x2048xf32> to vector<12x2048xf32>
      %reduce_sum3A_48 = arith.constant dense<0.000000e+00> : vector<2048xf32>
      %reduce_sum3A_49 = vector.multi_reduction <add>, %get3A_42, %reduce_sum3A_48 [0] : vector<12x2048xf32> to vector<2048xf32>
      %broadcast_in_dim3A_50 = vector.shape_cast %reduce_sum3A_49 : vector<2048xf32> to vector<1x2048xf32>
      %div3A = arith.constant 1.200000e+01 : f32
      %div3A_51 = vector.broadcast %div3A : f32 to vector<1x2048xf32>
      %div3A_52 = arith.divf %broadcast_in_dim3A_50, %div3A_51 : vector<1x2048xf32>
      %reduce_sum3A_53 = arith.constant dense<0.000000e+00> : vector<2048xf32>
      %reduce_sum3A_54 = vector.multi_reduction <add>, %get3A_47, %reduce_sum3A_53 [0] : vector<12x2048xf32> to vector<2048xf32>
      %broadcast_in_dim3A_55 = vector.shape_cast %reduce_sum3A_54 : vector<2048xf32> to vector<1x2048xf32>
      %div3A_56 = arith.constant 1.200000e+01 : f32
      %div3A_57 = vector.broadcast %div3A_56 : f32 to vector<1x2048xf32>
      %div3A_58 = arith.divf %broadcast_in_dim3A_55, %div3A_57 : vector<1x2048xf32>
      %mul3A_59 = arith.mulf %div3A_58, %div3A_52 : vector<1x2048xf32>
      %add3A = arith.constant 0.000000e+00 : f32
      %add3A_60 = vector.broadcast %add3A : f32 to vector<1x2048xf32>
      %add3A_61 = arith.addf %mul3A_59, %add3A_60 : vector<1x2048xf32>
      %bitcast_convert_type3A = tpu.bitcast %add3A_61 : vector<1x2048xf32> -> vector<1x2048xi32>
      %shift_right_arithmetic3A = arith.constant 31 : i32
      %shift_right_arithmetic3A_62 = vector.broadcast %shift_right_arithmetic3A : i32 to vector<1x2048xi32>
      %shift_right_arithmetic3A_63 = arith.shrsi %bitcast_convert_type3A, %shift_right_arithmetic3A_62 : vector<1x2048xi32>
      %and3A_64 = arith.constant 2147483647 : i32
      %and3A_65 = vector.broadcast %and3A_64 : i32 to vector<1x2048xi32>
      %and3A_66 = arith.andi %shift_right_arithmetic3A_63, %and3A_65 : vector<1x2048xi32>
      %xor3A = arith.xori %bitcast_convert_type3A, %and3A_66 : vector<1x2048xi32>
      %swap3A = arith.constant 0 : index
      %swap3A_67 = arith.constant 0 : index
      %swap3A_68 = vector.load %arg6[%swap3A, %swap3A_67] : memref<1x2048xi32, #tpu.memory_space<vmem>>, vector<1x2048xi32>
      tpu.vector_store %arg6[%swap3A, %swap3A_67], %xor3A {strides = array<i32>} : memref<1x2048xi32, #tpu.memory_space<vmem>>, vector<1x2048xi32>,
      %get3A_69 = arith.constant 0 : index
      %get3A_70 = arith.constant 0 : index
      %get3A_71 = vector.load %arg6[%get3A_69, %get3A_70] : memref<1x2048xi32, #tpu.memory_space<vmem>>, vector<1x2048xi32>
      %transpose3A = tpu.transpose %get3A_71, [1, 0] : vector<1x2048xi32> -> vector<2048x1xi32>
      %swap3A_72 = arith.constant 0 : index
      %swap3A_73 = arith.constant 0 : index
      %swap3A_74 = vector.load %arg7[%swap3A_72, %swap3A_73] : memref<2048x1xi32, #tpu.memory_space<vmem>>, vector<2048x1xi32>
      tpu.vector_store %arg7[%swap3A_72, %swap3A_73], %transpose3A {strides = array<i32>} : memref<2048x1xi32, #tpu.memory_space<vmem>>, vector<2048x1xi32>,
    } else {
    }
    %mul3A = arith.constant 512 : i32
    %mul3A_9 = arith.muli %arg1, %mul3A : i32
    %get3A = arith.index_cast %mul3A_9 : i32 to index
    %get3A_10 = arith.constant 0 : index
    %get3A_11 = vector.load %arg7[%get3A, %get3A_10] : memref<2048x1xi32, #tpu.memory_space<vmem>>, vector<512x1xi32>
    %get3A_12 = arith.constant 0 : index
    %get3A_13 = arith.constant 0 : index
    %get3A_14 = vector.load %arg6[%get3A_12, %get3A_13] : memref<1x2048xi32, #tpu.memory_space<vmem>>, vector<1x2048xi32>
    %mul3A_15 = arith.constant 512 : i32
    %mul3A_16 = arith.muli %arg1, %mul3A_15 : i32
    %get3A_17 = arith.index_cast %mul3A_16 : i32 to index
    %get3A_18 = arith.constant 0 : index
    %get3A_19 = vector.load %arg5[%get3A_17, %get3A_18] : memref<2048x2048xi32, #tpu.memory_space<vmem>>, vector<512x2048xi32>
    %sub3A = vector.broadcast %get3A_14 : vector<1x2048xi32> to vector<512x2048xi32>
    %sub3A_20 = arith.subi %sub3A, %get3A_19 : vector<512x2048xi32>
    %broadcast_in_dim3A = vector.shape_cast %get3A_11 : vector<512x1xi32> to vector<512x1xi32>
    %broadcast_in_dim3A_21 = vector.broadcast %broadcast_in_dim3A : vector<512x1xi32> to vector<512x2048xi32>
    %gt3A = arith.cmpi sgt, %broadcast_in_dim3A_21, %sub3A_20 : vector<512x2048xi32>
    %jit3A = arith.constant 1 : i32
    %jit3A_22 = arith.constant 0 : i32
    %broadcast_in_dim3A_23 = vector.broadcast %jit3A : i32 to vector<512x2048xi32>
    %broadcast_in_dim3A_24 = vector.broadcast %jit3A_22 : i32 to vector<512x2048xi32>
    %select_n3A = arith.select %gt3A, %broadcast_in_dim3A_23, %broadcast_in_dim3A_24 : vector<512x2048xi1>, vector<512x2048xi32>
    %reduce_sum3A = arith.constant dense<0> : vector<2048xi32>
    %reduce_sum3A_25 = vector.multi_reduction <add>, %select_n3A, %reduce_sum3A [0] : vector<512x2048xi32> to vector<2048xi32>
    %broadcast_in_dim3A_26 = vector.shape_cast %reduce_sum3A_25 : vector<2048xi32> to vector<1x2048xi32>
    %eq3A_27 = arith.constant 0 : i32
    %eq3A_28 = arith.cmpi eq, %arg1, %eq3A_27 : i32
    %convert_element_type3A_29 = arith.extui %eq3A_28 : i1 to i32
    %cond3A_30 = arith.constant 0 : i32
    %cond3A_31 = arith.cmpi ne, %convert_element_type3A_29, %cond3A_30 : i32
    scf.if %cond3A_31 {
      %broadcast_in_dim3A_37 = vector.shape_cast %broadcast_in_dim3A_26 : vector<1x2048xi32> to vector<1x1x2048xi32>
      %swap3A = arith.constant 0 : index
      %swap3A_38 = arith.constant 0 : index
      %swap3A_39 = arith.constant 0 : index
      %swap3A_40 = vector.load %arg4[%swap3A, %swap3A_38, %swap3A_39] : memref<1x1x2048xi32, #tpu.memory_space<vmem>>, vector<1x1x2048xi32>
      tpu.vector_store %arg4[%swap3A, %swap3A_38, %swap3A_39], %broadcast_in_dim3A_37 {strides = array<i32>} : memref<1x1x2048xi32, #tpu.memory_space<vmem>>, vector<1x1x2048xi32>,
    } else {
    }
    %gt3A_32 = arith.constant 0 : i32
    %gt3A_33 = arith.cmpi sgt, %arg1, %gt3A_32 : i32
    %convert_element_type3A_34 = arith.extui %gt3A_33 : i1 to i32
    %cond3A_35 = arith.constant 0 : i32
    %cond3A_36 = arith.cmpi ne, %convert_element_type3A_34, %cond3A_35 : i32
    scf.if %cond3A_36 {
      %get3A_37 = arith.constant 0 : index
      %get3A_38 = arith.constant 0 : index
      %get3A_39 = arith.constant 0 : index
      %get3A_40 = vector.load %arg4[%get3A_37, %get3A_38, %get3A_39] : memref<1x1x2048xi32, #tpu.memory_space<vmem>>, vector<1x1x2048xi32>
      %broadcast_in_dim3A_41 = vector.shape_cast %broadcast_in_dim3A_26 : vector<1x2048xi32> to vector<1x1x2048xi32>
      %add3A = arith.addi %get3A_40, %broadcast_in_dim3A_41 : vector<1x1x2048xi32>
      %swap3A = arith.constant 0 : index
      %swap3A_42 = arith.constant 0 : index
      %swap3A_43 = arith.constant 0 : index
      %swap3A_44 = vector.load %arg4[%swap3A, %swap3A_42, %swap3A_43] : memref<1x1x2048xi32, #tpu.memory_space<vmem>>, vector<1x1x2048xi32>
      tpu.vector_store %arg4[%swap3A, %swap3A_42, %swap3A_43], %add3A {strides = array<i32>} : memref<1x1x2048xi32, #tpu.memory_space<vmem>>, vector<1x1x2048xi32>,
    } else {
    }
    return
  }
  func.func @transform_0(%arg0: i32, %arg1: i32) -> (i32, i32, i32, i32) {
    %c0_i32 = arith.constant 0 : i32
    %c0_i32_0 = arith.constant 0 : i32
    %c0_i32_1 = arith.constant 0 : i32
    %c0_i32_2 = arith.constant 0 : i32
    return %arg0, %c0_i32, %c0_i32_0, %c0_i32_1 : i32, i32, i32, i32
  }
  func.func @transform_1(%arg0: i32, %arg1: i32) -> (i32, i32, i32) {
    %c0_i32 = arith.constant 0 : i32
    %c0_i32_0 = arith.constant 0 : i32
    %c0_i32_1 = arith.constant 0 : i32
    return %arg0, %c0_i32, %c0_i32_0 : i32, i32, i32
  }
  func.func @transform_2(%arg0: i32, %arg1: i32) -> (i32, i32, i32) {
    %c0_i32 = arith.constant 0 : i32
    %c0_i32_0 = arith.constant 0 : i32
    %c0_i32_1 = arith.constant 0 : i32
    return %arg0, %c0_i32, %c0_i32_0 : i32, i32, i32
  }
}

</mosaic_0001>

<sc_bundles>
// kernel: kernel.4.cloned.1.call-start
scs
__scs_entry_jumppad:
0x0: {  	(pc) =	sbr.rel $0x88, $3  }
0x1: {  	(tag) =	ssettag $0x0;
	lr =	simm.s32 $0x1  }
0x2: {  	[smem:$0x3F9F] =	sst lr;
	_ =	strace $0xD0000000  }
0x3: {  	_ = 	snop  }
0x4: {  	_ = 	snop  }
0x5: {  	_ = 	snop  }
0x6: {  	_ = 	snop  }
0x7: {  	_ = 	snop  }
__scs_overlays_trampoline_lowered:
0x8: {  	[smem:$0x3FAE] =	sst s0  }
0x9: {  	[smem:$0x3FAF] =	sst s1  }
0xa: {  	[smem:$0x3FB0] =	sst s2  }
0xb: {  	[smem:$0x3FB1] =	sst s3  }
0xc: {  	[smem:$0x3FB2] =	sst s4  }
0xd: {  	[smem:$0x3FB3] =	sst s5  }
0xe: {  	[smem:$0x3FB4] =	sst s6  }
0xf: {  	[smem:$0x3FB5] =	sst s7  }
0x10: {  	[smem:$0x3FB6] =	sst s8  }
0x11: {  	[smem:$0x3FB7] =	sst s9;
	s0 =	simm.s32 @!p0 $0x0  }
0x12: {  	s1 =	sld [smem:$0x3F9D];
	s0 =	simm.s32 @p0 $0x1  }
0x13: {  	[smem:$0x3FB8] =	sst s0;
	s0 =	simm.s32 @!p1 $0x0  }
0x14: {  	s2 =	sld [smem:$0x3F9C];
	s0 =	simm.s32 @p1 $0x1  }
0x15: {  	[smem:$0x3FB9] =	sst s0;
	s0 =	simm.s32 @!p2 $0x0  }
0x16: {  	s3 =	sld [smem:$0x3FDB];
	s0 =	simm.s32 @p2 $0x1  }
0x17: {  	s4 =	simm.s32 $0x1BF5;
	[smem:$0x3FBB] =	sst s0  }
0x18: {  	s0 =	sld [smem:$0x3F9E];
	_ =	swait.ge [sflag:s4], $0x0  }
0x19: {  	s7 =	sld [smem:$0x3F9F]  }
0x1a: {  	s8 =	sadd.s32 $0xFFFFE003, lr  }
0x1b: {  	s9 =	sadd.s32 $0xFFFFFEF7, lr;
	s5 =	simm.s32 $0xFFFFFFFF;
	p2 =	slt.u32 s8, $0xFFFFF086  }
0x1c: {  	p1 =	slt.u32 s9, $0xF7A;
	s5 =	simm.s32 @!p2 $0x0  }
0x1d: {  	s5 =	simm.s32 @p1 $0x1;
	p0 =	seq.s32 s7, s2  }
0x1e: {  	s7 =	smul.u32 @!p0 $0xF7A, s2;
	p2 =	seq.s32 @!p0 s5, $0x0  }
0x1f: {  	s9 =	smul.u32 $0xF7A, s1;
	s8 =	simm.s32 @!p0 $0x1BF5;
	p2 =	por !p2, p0  }
0x20: {  	[sflag:s8] =	ssyncset.s32 @!p0 $0xFFFFF086;
	s6 =	sadd.s32 @!p0 s3, s7;
	s7 =	simm.s32 @!p0 $0x108  }
0x21: {  	s3 =	sadd.s32 s3, s9;
	s6 =	sadd.s32 @!p0 $0x88, s6;
	s7 =	simm.s32 @p2 $0x1082  }
0x22: {  	[simem:s7], [sflag:s8] =	dma.local @!p0 [hbm:s6], $0xF7A  }
0x23: {  	s9 =	sor.u32 $0xD0000000, s2;
	s6 =	simm.s32 $0x108;
	_ =	swait.ge @!p0 [sflag:s8], $0x0  }
0x24: {  	s3 =	sadd.s32 $0x88, s3;
	s6 =	simm.s32 @!p1 $0x1082;
	[sflag:s4] =	ssyncset.s32 $0xFFFFF086  }
0x25: {  	[simem:s6], [sflag:s4] =	dma.local [hbm:s3], $0xF7A  }
0x26: {  	[smem:$0x3F9F] =	sst s1;
	(tag) =	ssettag s2;
	_ =	strace s9  }
0x27: {  	s1 =	sld [smem:$0x3FAF]  }
0x28: {  	s2 =	sld [smem:$0x3FB0]  }
0x29: {  	s4 =	sld [smem:$0x3FB2]  }
0x2a: {  	p0 =	seq.s32 s5, $0x0;
	s5 =	sld [smem:$0x3FB3]  }
0x2b: {  	s6 =	sld [smem:$0x3FB4]  }
0x2c: {  	s7 =	sld [smem:$0x3FB5]  }
0x2d: {  	s3 =	simm.s32 $0x108;
	s8 =	sld [smem:$0x3FB6]  }
0x2e: {  	s3 =	simm.s32 @!p0 $0x1082;
	s9 =	sld [smem:$0x3FB7]  }
0x2f: {  	lr =	sadd.s32 s0, s3;
	s0 =	sld [smem:$0x3FAE]  }
0x30: {  	s3 =	sld [smem:$0x3FB1]  }
0x31: {  	[smem:$0x3FBA] =	sst s10  }
0x32: {  	s10 =	sld [smem:$0x3FB8];
	_ =	sdelay $0x3  }
0x33: {  	p0 =	seq.s32 s10, $0x1;
	s10 =	sld [smem:$0x3FBA];
	_ =	sdelay $0x3  }
0x34: {  	[smem:$0x3FBA] =	sst s10  }
0x35: {  	s10 =	sld [smem:$0x3FB9];
	_ =	sdelay $0x3  }
0x36: {  	p1 =	seq.s32 s10, $0x1;
	s10 =	sld [smem:$0x3FBA];
	_ =	sdelay $0x3  }
0x37: {  	[smem:$0x3FBA] =	sst s10  }
0x38: {  	s10 =	sld [smem:$0x3FBB]  }
0x39: {  	_ = 	snop;
	(pc) =	sbr.ind lr, $3  }
0x3a: {  	_ = 	snop  }
0x3b: {  	_ = 	snop  }
0x3c: {  	p2 =	seq.s32 s10, $0x1;
	s10 =	sld [smem:$0x3FBA]  }
0x3d: {  	_ =	shalt  }
0x3e: {  	_ =	shalt  }
0x3f: {  	_ =	shalt  }
0x40: {  	_ =	shalt  }
0x41: {  	_ =	shalt  }
0x42: {  	_ =	shalt  }
0x43: {  	_ =	shalt  }
0x44: {  	_ =	shalt  }
0x45: {  	_ =	shalt  }
0x46: {  	_ =	shalt  }
0x47: {  	_ =	shalt  }
0x48: {  	_ =	shalt  }
0x49: {  	_ =	shalt  }
0x4a: {  	_ =	shalt  }
0x4b: {  	_ =	shalt  }
0x4c: {  	_ =	shalt  }
0x4d: {  	_ =	shalt  }
0x4e: {  	_ =	shalt  }
0x4f: {  	_ =	shalt  }
0x50: {  	_ =	shalt  }
0x51: {  	_ =	shalt  }
0x52: {  	_ =	shalt  }
0x53: {  	_ =	shalt  }
0x54: {  	_ =	shalt  }
0x55: {  	_ =	shalt  }
0x56: {  	_ =	shalt  }
0x57: {  	_ =	shalt  }
0x58: {  	_ =	shalt  }
0x59: {  	_ =	shalt  }
0x5a: {  	_ =	shalt  }
0x5b: {  	_ =	shalt  }
0x5c: {  	_ =	shalt  }
0x5d: {  	_ =	shalt  }
0x5e: {  	_ =	shalt  }
0x5f: {  	_ =	shalt  }
0x60: {  	_ =	shalt  }
0x61: {  	_ =	shalt  }
0x62: {  	_ =	shalt  }
0x63: {  	_ =	shalt  }
0x64: {  	_ =	shalt  }
0x65: {  	_ =	shalt  }
0x66: {  	_ =	shalt  }
0x67: {  	_ =	shalt  }
0x68: {  	_ =	shalt  }
0x69: {  	_ =	shalt  }
0x6a: {  	_ =	shalt  }
0x6b: {  	_ =	shalt  }
0x6c: {  	_ =	shalt  }
0x6d: {  	_ =	shalt  }
0x6e: {  	_ =	shalt  }
0x6f: {  	_ =	shalt  }
0x70: {  	_ =	shalt  }
0x71: {  	_ =	shalt  }
0x72: {  	_ =	shalt  }
0x73: {  	_ =	shalt  }
0x74: {  	_ =	shalt  }
0x75: {  	_ =	shalt  }
0x76: {  	_ =	shalt  }
0x77: {  	_ =	shalt  }
0x78: {  	_ =	shalt  }
0x79: {  	_ =	shalt  }
0x7a: {  	_ =	shalt  }
0x7b: {  	_ =	shalt  }
0x7c: {  	_ =	shalt  }
0x7d: {  	_ =	shalt  }
0x7e: {  	_ =	shalt  }
0x7f: {  	_ =	shalt  }
0x80: {  	_ =	shalt  }
0x81: {  	_ =	shalt  }
0x82: {  	_ =	shalt  }
0x83: {  	_ =	shalt  }
0x84: {  	_ =	shalt  }
0x85: {  	_ =	shalt  }
0x86: {  	_ =	shalt  }
0x87: {  	_ =	shalt  }
.Lfunc_end0:
.L_simem_size_0:
called_computation_lowered:
.L_overlay_start_0:
0x88: {  	s2 =	sld [smem:$0x3FD9]  }
0x89: {  	s3 =	sld [smem:$0x3FFE];
	_ =	sdelay $0x1  }
0x8a: {  	s1 =	srdreg.scid  }
0x8b: {  	s0 =	sand.u32 $0x1, s1  }
0x8c: {  	s17 =	sshll.u32 s0, $0xA;
	s2 =	sadd.s32 s3, s2  }
0x8d: {  	s2 =	sadd.s32 s2, s17  }
0x8e: {  	[smem:$0x3FC6] =	sst s2  }
0x8f: {  	_ = 	snop  }
0x90: {  	s2 =	sld [smem:$0x3FD0];
	(tm) =	ssettm $0x1  }
0x91: {  	s18 =	sld [smem:$0x3FFB];
	_ =	sdelay $0x3  }
0x92: {  	_ =	strace s18  }
0x93: {  	s3 =	sld [smem:$0x3FFC];
	_ =	sdelay $0x3  }
0x94: {  	_ =	strace s3  }
0x95: {  	s3 =	sld [smem:$0x3FFD];
	_ =	sdelay $0x3  }
0x96: {  	_ =	strace s3  }
0x97: {  	_ =	strace $0x8FFFFFFF  }
0x98: {  	s19 =	sld [smem:$0x3FDB];
	_ =	sdelay $0x1  }
0x99: {  	s4 =	simm.s32 $_scs_section_size  }
0x9a: {  	s5 =	simm.s32 $_size__tile_overlayer_lowered;
	s6 =	simm.s32 $_tile_overlayer_lowered  }
0x9b: {  	s22 =	simm.s32 $0x1BFF;
	s21 =	sshll.u32 s6, $0x1;
	s3 =	sadd.s32 s4, s19  }
0x9c: {  	s7 =	simm.s32 $0x0;
	s20 =	sshll.u32 s5, $0x1;
	s5 =	sadd.s32 s21, s3  }
0x9d: {  	[timem:s7], [sflag:s22] =	dma.local [hbm:s5], s20  }
0x9e: {  	_ =	swait.ge [sflag:s22], s20  }
0x9f: {  	s4 =	ssub.s32 $0x0, s20;
	[sflag:s22] =	ssyncset.done $0x0  }
0xa0: {  	[sflag:s22] =	ssyncadd.s32 s4;
	_ =	sdelay $0x1  }
0xa1: {  	s23 =	simm.s32 $0x1B8B  }
0xa2: {  	_ =	swait.ge [sflag:s23], $0x1  }
0xa3: {  	[sflag:s23] =	ssyncset.done $0x0  }
0xa4: {  	s25 =	simm.s32 $0x1B8E;
	s24 =	sld [smem:$0x3FFE];
	[sflag:s23] =	ssyncadd.s32 $0xFFFFFFFF  }
0xa5: {  	s26 =	simm.s32 $execute0_lowered;
	[smem:$0x3FD2] =	sst s25  }
0xa6: {  	s5 =	sshll.u32 s26, $0x1;
	_ =	strace $0x80000046;
	[dreg:$0x1] =	wrdreg $0xFFFFFFFF  }
0xa7: {  	s28 =	simm.s32 $_size_execute0_lowered;
	s3 =	sadd.s32 s3, s5;
	[dreg:$0x0] =	wrdreg $0x0  }
0xa8: {  	s5 =	sshll.u32 s28, $0x1;
	[dreg:$0x2] =	wrdreg s3  }
0xa9: {  	[dreg:$0x3] =	wrdreg s5  }
0xaa: {  	[dreg:$0x4] =	wrdreg $0xC0  }
0xab: {  	_ =	task [dreg:s7], $0x5FFFF  }
0xac: {  	[dreg:$0x1] =	wrdreg $0xFFFFFFFF  }
0xad: {  	[dreg:$0x0] =	wrdreg $0x60  }
0xae: {  	[dreg:$0x2] =	wrdreg s24  }
0xaf: {  	[dreg:$0x3] =	wrdreg s2  }
0xb0: {  	[dreg:$0x4] =	wrdreg $0x9  }
0xb1: {  	_ =	task.clear_ibuf [dreg:s7], $0x5FFFF;
	_ =	strace $0x90000046  }
0xb2: {  	s29 =	simm.s32 $0x9;
	_ =	strace $0x80000048  }
0xb3: {  	_ =	swait.ge [sflag:s29], $0x1  }
0xb4: {  	[sflag:s29] =	ssyncadd.s32 $0xFFFFFFFF  }
0xb5: {  	_ =	strace $0x90000048  }
0xb6: {  	_ =	sfence  }
0xb7: {  	s30 =	sld [smem:$0x0];
	_ =	sdelay $0x2  }
0xb8: {  	s31 =	sshll.u32 s1, $0xD;
	s1 =	sshrl.u32 s1, $0x2  }
0xb9: {  	s3 =	sand.u32 $0x4000, s31;
	s1 =	sadd.s32 s1, s30  }
0xba: {  	s0 =	sor.u32 s3, s0;
	s1 =	sshll.u32 s1, $0x11  }
0xbb: {  	s0 =	sor.u32 s1, s0  }
0xbc: {  	s0 =	sadd.s32 $0x8F2B, s0  }
0xbd: {  	[sflag:s0] =	ssyncadd.remote.s32 $0x1  }
0xbe: {  	_ =	sfence.sel $0xFFFF  }
0xbf: {  	[dreg:$0x0] =	wrdreg $0xFFFFFFFF;
	(pc) =	sbr.abs _section_cstart, $3  }
0xc0: {  	[dreg:$0x1] =	wrdreg $0xFFFFFFFF  }
0xc1: {  	_ =	task.clear_ibuf [dreg:s7], $0x2FFFF;
	_ =	strace $0x9FFFFFFF  }
0xc2: {  	(tm) =	ssettm $0x7FFFFFFF  }
0xc3: {  	_ =	shalt  }
tec
execute0_lowered:
.L_overlay_start_1:
0x0: {  	(tag) =	ssettag $0x1  }
0x1: {  	s4 =	stileid.u32  }
0x2: {  	p0 =	sne.s32 s4, $0x0  }
.Ltmp0:
0x3: {  	_ = 	snop;
	(pc) =	sbr.rel @p0 .LBB2_5-.Ltmp0, $4  }
0x4: {  	s3 =	rddreg [dreg:$0x0]  }
0x5: {  	s2 =	rddreg [dreg:$0x1];
	s1 =	simm.s32 $0x0  }
0x6: {  	[smem:$0x7FF] =	sst s1  }
0x7: {  	s0 =	rddreg [dreg:$0x2];
	_ =	strace $0x80000047  }
0x8: {  	s4 =	srdreg.scid  }
0x9: {  	s3 =	sadd.s32 $0x600, s3;
	s8 =	simm.s32 $0x100;
	s4 =	sand.u32 $0x1, s4  }
0xa: {  	s9 =	simm.s32 $0x0;
	s5 =	ssub.s32 $0x2, s4;
	s6 =	sshll.u32 s4, $0x4  }
0xb: {  	s4 =	sshll.u32 s4, $0x8;
	s7 =	sshrl.u32 s5, $0x1;
	s2 =	sadd.s32 s2, s6  }
0xc: {  	s3 =	sadd.s32 s3, s4;
	s6 =	simm.s32 $0x800;
	s5 =	ssub.s32 s5, s7  }
0xd: {  	v0 =	vlaneseq.u32;
	s7 =	simm.s32 $0x80;
	s4 =	smax.u32 s5, $0x1;
	s5 =	simm.s32 $0x1  }
.LBB2_2:
0xe: {  	[tilespmem:s1], [sflag:$0x1] =	stream.linear.gather [hbm4b:s3+s1], $0x800, $0x38;
	[tilespmem:$0x1000] =	vst v63  }
0xf: {  	_ =	swait.ge [sflag:s5], $0x800  }
0x10: {  	[sflag:s5] =	ssyncset.done $0x0  }
0x11: {  	s10 =	simm.s32 $0x70;
	s11 =	simm.s32 $0x40;
	[sflag:s5] =	ssyncadd.s32 $0xFFFFF800  }
.LBB2_3:
0x12: {  	v1 =	vld [tilespmem:s11+$0xFFFFFFC0];
	_ =	sdelay $0x5  }
0x13: {  	s12 =	sadd.s32 $0xFFFFFF90, s10  }
0x14: {  	v2 =	vor.u32 s12, v0  }
0x15: {  	[tilespmem:v1+s6+$0x0] =	vst.idx.msk $0xffff, v2  }
0x16: {  	v1 =	vld [tilespmem:s11+$0xFFFFFFD0];
	_ =	sdelay $0x5  }
0x17: {  	s25 =	sadd.s32 $0xFFFFFFA0, s10  }
0x18: {  	v2 =	vor.u32 s25, v0  }
0x19: {  	[tilespmem:v1+s6+$0x0] =	vst.idx.msk $0xffff, v2  }
0x1a: {  	v1 =	vld [tilespmem:s11+$0xFFFFFFE0];
	_ =	sdelay $0x5  }
0x1b: {  	s26 =	sadd.s32 $0xFFFFFFB0, s10  }
0x1c: {  	v2 =	vor.u32 s26, v0  }
0x1d: {  	[tilespmem:v1+s6+$0x0] =	vst.idx.msk $0xffff, v2  }
0x1e: {  	v1 =	vld [tilespmem:s11+$0xFFFFFFF0];
	_ =	sdelay $0x5  }
0x1f: {  	s28 =	sadd.s32 $0xFFFFFFC0, s10  }
0x20: {  	v2 =	vor.u32 s28, v0  }
0x21: {  	[tilespmem:v1+s6+$0x0] =	vst.idx.msk $0xffff, v2  }
0x22: {  	v1 =	vld [tilespmem:s11+$0x0];
	_ =	sdelay $0x5  }
0x23: {  	s29 =	sadd.s32 $0xFFFFFFD0, s10  }
0x24: {  	v2 =	vor.u32 s29, v0  }
0x25: {  	[tilespmem:v1+s6+$0x0] =	vst.idx.msk $0xffff, v2  }
0x26: {  	v1 =	vld [tilespmem:s11+$0x10];
	_ =	sdelay $0x5  }
0x27: {  	s30 =	sadd.s32 $0xFFFFFFE0, s10  }
0x28: {  	v2 =	vor.u32 s30, v0  }
0x29: {  	[tilespmem:v1+s6+$0x0] =	vst.idx.msk $0xffff, v2  }
0x2a: {  	v1 =	vld [tilespmem:s11+$0x20];
	_ =	sdelay $0x5  }
0x2b: {  	s31 =	sadd.s32 $0xFFFFFFF0, s10  }
0x2c: {  	v2 =	vor.u32 s31, v0  }
0x2d: {  	[tilespmem:v1+s6+$0x0] =	vst.idx.msk $0xffff, v2  }
0x2e: {  	v1 =	vld [tilespmem:s11+$0x30];
	_ =	sdelay $0x2  }
0x2f: {  	p1 =	sne.s32 s10, $0x7F0  }
.Ltmp1:
0x30: {  	_ = 	snop;
	(pc) =	sbr.rel @p1 .LBB2_3-.Ltmp1, $3  }
0x31: {  	_ =	sdelay $0x1  }
0x32: {  	v2 =	vor.u32 s10, v0  }
0x33: {  	s10 =	sadd.s32 $0x80, s10;
	s11 =	sadd.s32 $0x80, s11;
	[tilespmem:v1+s6+$0x0] =	vst.idx.msk $0xffff, v2  }
0x34: {  	s9 =	sadd.s32 $0x1, s9  }
0x35: {  	p1 =	sne.s32 s9, s4  }
.Ltmp2:
0x36: {  	_ = 	snop;
	(pc) =	sbr.rel @p1 .LBB2_2-.Ltmp2, $4  }
0x37: {  	[hbm4b:s2+s7] =	stream.strided.scatter [tilespmem:s6], [sflag:$0x1], $0x800, s8, s7, $0x38;
	[tilespmem:$0x1000] =	vst v63  }
0x38: {  	_ =	swait.ge [sflag:s5], $0x800  }
0x39: {  	[sflag:s5] =	ssyncset.done $0x0  }
0x3a: {  	[sflag:s5] =	ssyncadd.s32 $0xFFFFF800  }
.LBB2_5:
0x3b: {  	_ =	sfence.sel $0x180000  }
0x3c: {  	[bflag:$0x0] =	sbarrier.arrive $0xFFFF  }
0x3d: {  	_ =	strace $0x90000047  }
0x3e: {  	s0 =	sadd.s32 @!p0 $0x100000, s0;
	[bflag:$0x2] =	sbarrier.arrive $0xFFFF  }
0x3f: {  	[sflag:s0] =	ssyncadd.tile.s32 @!p0 $0x1;
	_ =	shalt  }
.Lfunc_end2:
_tile_overlayer_lowered:
.L_overlay_start_2:
0x40: {  	(tag) =	ssettag $0x2  }
0x41: {  	s0 =	rddreg [dreg:$0x0];
	s2 =	stileid.u32  }
0x42: {  	s1 =	rddreg [dreg:$0x1];
	p0 =	sne.s32 s2, $0x0  }
0x43: {  	s3 =	rddreg [dreg:$0x2];
	[bflag:$0x3] =	sbarrier.arrive $0xFFFF;
	s2 =	simm.s32 @!p0 $0x1C01  }
0x44: {  	[timem:s3], [sflag:s2] =	dma.local @!p0 [hbm:s0], s1  }
0x45: {  	s0 =	simm.s32 @!p0 $0x1  }
0x46: {  	_ =	swait.ge @!p0 [sflag:s0], s1  }
0x47: {  	s1 =	ssub.s32 @!p0 $0x0, s1;
	[sflag:s0] =	ssyncset.done @!p0 $0x0  }
0x48: {  	[sflag:s0] =	ssyncadd.s32 @!p0 s1  }
0x49: {  	[bflag:$0x3] =	sbarrier.arrive $0xFFFF  }
0x4a: {  	_ =	shalt  }

</sc_bundles>
